<compile_context>
chip_gen: v7x
topology: tpu7x:2x2x1
jax: 0.10.2.dev20260603
libtpu: 0.0.44.dev20260713+nightly
codegen_flags: <defaults>
</compile_context>

<pallas_src>
import jax
import jax.numpy as jnp
from jax import lax
from jax.experimental import pallas as pl
from jax.experimental.pallas import tpu as pltpu
from jax.experimental.pallas import tpu_sc as plsc

_EPS = 1e-8
_NC = 2
_NS = 16
_NW = _NC * _NS
_L = 16


def _sqrt16(x):
    xs = jnp.maximum(x, 1e-30)
    bits = plsc.bitcast(xs, jnp.int32)
    z = plsc.bitcast(jnp.int32(0x5F3759DF) - (bits >> 1), jnp.float32)
    hx = 0.5 * xs
    for _ in range(2):
        z = z * (1.5 - hx * z * z)
    return xs * z


def _gather_body(tbl_hbm, idx_hbm, out_hbm, tbl_v, idx_v, out_v, sem_t, sem_i):
    wid = lax.axis_index("s") * _NC + lax.axis_index("c")
    bpw = idx_v.shape[0]
    base = wid * bpw
    n = tbl_hbm.shape[0]
    cp_t = pltpu.async_copy(tbl_hbm, tbl_v.at[pl.ds(0, n)], sem_t)
    cp_i = pltpu.async_copy(idx_hbm.at[pl.ds(base, bpw)], idx_v, sem_i)
    cp_i.wait()
    cp_t.wait()

    @plsc.parallel_loop(0, bpw, step=_L, unroll=4)
    def _(i):
        idx = idx_v[pl.ds(i, _L)]
        a = plsc.load_gather(tbl_v, [idx])
        a = jnp.minimum(jnp.maximum(a, _EPS), 1.0)
        out_v[pl.ds(i, _L)] = jnp.maximum(_sqrt16(1.0 - a), _EPS)

    pltpu.sync_copy(out_v, out_hbm.at[pl.ds(base, bpw)])


def kernel(t_long, alpha_bars):
    b = t_long.shape[0]
    bpw = b // _NW
    n = alpha_bars.shape[0]
    tbl_len = ((n + _L - 1) // _L) * _L
    idx = t_long.astype(jnp.int32)

    run = pl.kernel(
        _gather_body,
        out_type=jax.ShapeDtypeStruct((b,), jnp.float32),
        mesh=plsc.VectorSubcoreMesh(core_axis_name="c", subcore_axis_name="s"),
        compiler_params=pltpu.CompilerParams(needs_layout_passes=False),
        scratch_types=[
            pltpu.VMEM((tbl_len,), jnp.float32),
            pltpu.VMEM((bpw,), jnp.int32),
            pltpu.VMEM((bpw,), jnp.float32),
            pltpu.SemaphoreType.DMA,
            pltpu.SemaphoreType.DMA,
        ],
    )
    out = run(alpha_bars.astype(jnp.float32), idx)
    return out.reshape(b, 1, 1)

# --- scband reference (transcript-rebuilt; emitter-appended) ---
"""Pipeline reference for scband-variance-schedule-36532991820046 (READ-ONLY COPY).

The authoritative reference and input builder live on the scoring server;
editing this copy changes nothing except your own understanding.
"""

import jax, jax.numpy as jnp
import numpy as np

EPS = 1e-08
NUM_STEPS = 1000
S = 0.01
BATCH = 16384


def _make_alpha_bars():
    T = NUM_STEPS
    t = np.arange(0, T + 1, dtype=np.float32)
    f_t = np.cos(np.pi / 2 * (t / T + S) / (1 + S)) ** 2
    alpha_bars = f_t / (f_t[0] + EPS)
    return jnp.asarray(alpha_bars, dtype=jnp.float32)


def setup_inputs(seed: int = 0) -> dict:
    key = jax.random.key(seed)
    t_long = jax.random.randint(key, (BATCH,), 0, NUM_STEPS + 1, dtype=jnp.int64 if jax.config.read('jax_enable_x64') else jnp.int32)
    alpha_bars = _make_alpha_bars()
    return {"t_long": t_long, "alpha_bars": alpha_bars}


def reference(t_long, alpha_bars):
    # Faithful translation of VarianceSchedule.c1:
    # a = alpha_bars[t].clamp(min=EPS, max=1.0)
    # return sqrt(1 - a).view(-1, 1, 1).clamp(min=EPS)
    a = jnp.take(alpha_bars, t_long, axis=0)
    a = jnp.clip(a, EPS, 1.0)
    out = jnp.sqrt(1.0 - a).reshape(-1, 1, 1)
    out = jnp.clip(out, EPS, None)
    return out

if __name__ == "__main__":
    import jax
    _d = setup_inputs()
    print(jax.jit(kernel)(*tuple(_d.values())))

</pallas_src>

<mosaic_0001>
#map = affine_map<(d0, d1) -> (0)>
module attributes {stable_mosaic.version = 14 : i64} {
  func.func @_gather_body(%arg0: i32, %arg1: i32, %arg2: memref<1001xf32, #tpu.memory_space<hbm>>, %arg3: memref<16384xi32, #tpu.memory_space<hbm>>, %arg4: memref<16384xf32, #tpu.memory_space<hbm>>, %arg5: memref<1008xf32, #tpu.memory_space<vmem>>, %arg6: memref<512xi32, #tpu.memory_space<vmem>>, %arg7: memref<512xf32, #tpu.memory_space<vmem>>, %arg8: memref<!tpu.dma_semaphore, #tpu.memory_space<semaphore_mem>>, %arg9: memref<!tpu.dma_semaphore, #tpu.memory_space<semaphore_mem>>) attributes {dimension_semantics = [#tpu.dimension_semantics<core_parallel>, #tpu.dimension_semantics<subcore_parallel>], iteration_bounds = array<i64: 2, 16>, scalar_prefetch = 0 : i64, scratch_operands = 5 : i64, tpu.core_type = #tpu.core_type<sc_vector_subcore>, window_params = [{transform_indices = #map}, {transform_indices = #map}, {transform_indices = #map}]} {
    %mul3A = arith.constant 2 : i32
    %mul3A_0 = arith.muli %arg1, %mul3A : i32
    %add3A = arith.addi %mul3A_0, %arg0 : i32
    %mul3A_1 = arith.constant 512 : i32
    %mul3A_2 = arith.muli %add3A, %mul3A_1 : i32
    %dma_start3A = arith.constant 0 : i32
    %dma_start3A_3 = tpu.memref_slice %arg5[%dma_start3A] : memref<1008xf32, #tpu.memory_space<vmem>> -> memref<1001xf32, #tpu.memory_space<vmem>>
    %dma_start3A_4 = arith.constant 0 : i32
    %dma_start3A_5 = tpu.memref_slice %arg5[%dma_start3A_4] : memref<1008xf32, #tpu.memory_space<vmem>> -> memref<1001xf32, #tpu.memory_space<vmem>>
    tpu.enqueue_dma source(%arg2 : memref<1001xf32, #tpu.memory_space<hbm>>) target(%dma_start3A_5 : memref<1001xf32, #tpu.memory_space<vmem>>) target_semaphore(%arg8 : memref<!tpu.dma_semaphore, #tpu.memory_space<semaphore_mem>>)
    %dma_start3A_6 = tpu.memref_slice %arg3[%mul3A_2] : memref<16384xi32, #tpu.memory_space<hbm>> -> memref<512xi32, #tpu.memory_space<hbm>>
    %dma_start3A_7 = tpu.memref_slice %arg3[%mul3A_2] : memref<16384xi32, #tpu.memory_space<hbm>> -> memref<512xi32, #tpu.memory_space<hbm>>
    tpu.enqueue_dma source(%dma_start3A_7 : memref<512xi32, #tpu.memory_space<hbm>>) target(%arg6 : memref<512xi32, #tpu.memory_space<vmem>>) target_semaphore(%arg9 : memref<!tpu.dma_semaphore, #tpu.memory_space<semaphore_mem>>)
    %dma_wait3A = tpu.memref_slice %arg3[%mul3A_2] : memref<16384xi32, #tpu.memory_space<hbm>> -> memref<512xi32, #tpu.memory_space<hbm>>
    %dma_wait3A_8 = tpu.memref_slice %arg3[%mul3A_2] : memref<16384xi32, #tpu.memory_space<hbm>> -> memref<512xi32, #tpu.memory_space<hbm>>
    tpu.wait_dma2 semaphore(%arg9 : memref<!tpu.dma_semaphore, #tpu.memory_space<semaphore_mem>>) src(%dma_wait3A_8 : memref<512xi32, #tpu.memory_space<hbm>>) dst(%arg6 : memref<512xi32, #tpu.memory_space<vmem>>)
    %dma_wait3A_9 = arith.constant 0 : i32
    %dma_wait3A_10 = tpu.memref_slice %arg5[%dma_wait3A_9] : memref<1008xf32, #tpu.memory_space<vmem>> -> memref<1001xf32, #tpu.memory_space<vmem>>
    %dma_wait3A_11 = arith.constant 0 : i32
    %dma_wait3A_12 = tpu.memref_slice %arg5[%dma_wait3A_11] : memref<1008xf32, #tpu.memory_space<vmem>> -> memref<1001xf32, #tpu.memory_space<vmem>>
    tpu.wait_dma2 semaphore(%arg8 : memref<!tpu.dma_semaphore, #tpu.memory_space<semaphore_mem>>) src(%arg2 : memref<1001xf32, #tpu.memory_space<hbm>>) dst(%dma_wait3A_12 : memref<1001xf32, #tpu.memory_space<vmem>>)
    %parallel_loop3A = arith.constant 0 : i32
    %parallel_loop3A_13 = arith.constant 512 : i32
    %parallel_loop3A_14 = arith.constant 16 : i32
    scf.for %parallel_loop3A_15 = %parallel_loop3A to %parallel_loop3A_13 step %parallel_loop3A_14  : i32 {
      %parallel_loop3A_16 = arith.index_cast %parallel_loop3A_15 : i32 to index
      %parallel_loop3A_17 = tpu.vector_load %arg6[%parallel_loop3A_16] {strides = array<i32>} : memref<512xi32, #tpu.memory_space<vmem>>, vector<16xi32>,
      %parallel_loop3A_18 = tpu.vector_load_idx %arg5[%parallel_loop3A_17] : memref<1008xf32, #tpu.memory_space<vmem>>[vector<16xi32>], vector<16xf32>,
      %parallel_loop3A_19 = arith.constant 9.99999993E-9 : f32
      %parallel_loop3A_20 = vector.broadcast %parallel_loop3A_19 : f32 to vector<16xf32>
      %parallel_loop3A_21 = arith.maximumf %parallel_loop3A_18, %parallel_loop3A_20 : vector<16xf32>
      %parallel_loop3A_22 = arith.constant 1.000000e+00 : f32
      %parallel_loop3A_23 = vector.broadcast %parallel_loop3A_22 : f32 to vector<16xf32>
      %parallel_loop3A_24 = arith.minimumf %parallel_loop3A_21, %parallel_loop3A_23 : vector<16xf32>
      %parallel_loop3A_25 = arith.constant 1.000000e+00 : f32
      %parallel_loop3A_26 = vector.broadcast %parallel_loop3A_25 : f32 to vector<16xf32>
      %parallel_loop3A_27 = arith.subf %parallel_loop3A_26, %parallel_loop3A_24 : vector<16xf32>
      %parallel_loop3A_28 = arith.constant 1.000000e-30 : f32
      %parallel_loop3A_29 = vector.broadcast %parallel_loop3A_28 : f32 to vector<16xf32>
      %parallel_loop3A_30 = arith.maximumf %parallel_loop3A_27, %parallel_loop3A_29 : vector<16xf32>
      %parallel_loop3A_31 = vector.bitcast %parallel_loop3A_30 : vector<16xf32> to vector<16xi32>
      %parallel_loop3A_32 = arith.constant 1 : i32
      %parallel_loop3A_33 = vector.broadcast %parallel_loop3A_32 : i32 to vector<16xi32>
      %parallel_loop3A_34 = arith.shrsi %parallel_loop3A_31, %parallel_loop3A_33 : vector<16xi32>
      %parallel_loop3A_35 = arith.constant 1597463007 : i32
      %parallel_loop3A_36 = vector.broadcast %parallel_loop3A_35 : i32 to vector<16xi32>
      %parallel_loop3A_37 = arith.subi %parallel_loop3A_36, %parallel_loop3A_34 : vector<16xi32>
      %parallel_loop3A_38 = vector.bitcast %parallel_loop3A_37 : vector<16xi32> to vector<16xf32>
      %parallel_loop3A_39 = arith.constant 5.000000e-01 : f32
      %parallel_loop3A_40 = vector.broadcast %parallel_loop3A_39 : f32 to vector<16xf32>
      %parallel_loop3A_41 = arith.mulf %parallel_loop3A_40, %parallel_loop3A_30 : vector<16xf32>
      %parallel_loop3A_42 = arith.mulf %parallel_loop3A_41, %parallel_loop3A_38 : vector<16xf32>
      %parallel_loop3A_43 = arith.mulf %parallel_loop3A_42, %parallel_loop3A_38 : vector<16xf32>
      %parallel_loop3A_44 = arith.constant 1.500000e+00 : f32
      %parallel_loop3A_45 = vector.broadcast %parallel_loop3A_44 : f32 to vector<16xf32>
      %parallel_loop3A_46 = arith.subf %parallel_loop3A_45, %parallel_loop3A_43 : vector<16xf32>
      %parallel_loop3A_47 = arith.mulf %parallel_loop3A_38, %parallel_loop3A_46 : vector<16xf32>
      %parallel_loop3A_48 = arith.mulf %parallel_loop3A_41, %parallel_loop3A_47 : vector<16xf32>
      %parallel_loop3A_49 = arith.mulf %parallel_loop3A_48, %parallel_loop3A_47 : vector<16xf32>
      %parallel_loop3A_50 = arith.constant 1.500000e+00 : f32
      %parallel_loop3A_51 = vector.broadcast %parallel_loop3A_50 : f32 to vector<16xf32>
      %parallel_loop3A_52 = arith.subf %parallel_loop3A_51, %parallel_loop3A_49 : vector<16xf32>
      %parallel_loop3A_53 = arith.mulf %parallel_loop3A_47, %parallel_loop3A_52 : vector<16xf32>
      %parallel_loop3A_54 = arith.mulf %parallel_loop3A_30, %parallel_loop3A_53 : vector<16xf32>
      %parallel_loop3A_55 = arith.constant 9.99999993E-9 : f32
      %parallel_loop3A_56 = vector.broadcast %parallel_loop3A_55 : f32 to vector<16xf32>
      %parallel_loop3A_57 = arith.maximumf %parallel_loop3A_54, %parallel_loop3A_56 : vector<16xf32>
      %parallel_loop3A_58 = arith.index_cast %parallel_loop3A_15 : i32 to index
      %parallel_loop3A_59 = tpu.vector_load %arg7[%parallel_loop3A_58] {strides = array<i32>} : memref<512xf32, #tpu.memory_space<vmem>>, vector<16xf32>,
      tpu.vector_store %arg7[%parallel_loop3A_58], %parallel_loop3A_57 {strides = array<i32>} : memref<512xf32, #tpu.memory_space<vmem>>, vector<16xf32>,
    } {sc.loop_unroll_factor = 4 : i64, sc.parallel_access}
    "tpu.region"() ({
      %run_scoped3A = tpu.sem_alloc : memref<!tpu.dma_semaphore, #tpu.memory_space<semaphore_mem>>
      %dma_start3A_15 = tpu.memref_slice %arg4[%mul3A_2] : memref<16384xf32, #tpu.memory_space<hbm>> -> memref<512xf32, #tpu.memory_space<hbm>>
      %dma_start3A_16 = tpu.memref_slice %arg4[%mul3A_2] : memref<16384xf32, #tpu.memory_space<hbm>> -> memref<512xf32, #tpu.memory_space<hbm>>
      tpu.enqueue_dma source(%arg7 : memref<512xf32, #tpu.memory_space<vmem>>) target(%dma_start3A_16 : memref<512xf32, #tpu.memory_space<hbm>>) target_semaphore(%run_scoped3A : memref<!tpu.dma_semaphore, #tpu.memory_space<semaphore_mem>>)
      %dma_wait3A_17 = tpu.memref_slice %arg4[%mul3A_2] : memref<16384xf32, #tpu.memory_space<hbm>> -> memref<512xf32, #tpu.memory_space<hbm>>
      %dma_wait3A_18 = tpu.memref_slice %arg4[%mul3A_2] : memref<16384xf32, #tpu.memory_space<hbm>> -> memref<512xf32, #tpu.memory_space<hbm>>
      tpu.wait_dma2 semaphore(%run_scoped3A : memref<!tpu.dma_semaphore, #tpu.memory_space<semaphore_mem>>) src(%arg7 : memref<512xf32, #tpu.memory_space<vmem>>) dst(%dma_wait3A_18 : memref<512xf32, #tpu.memory_space<hbm>>)
      tpu.yield
    }) : () -> ()
    return
  }
}

</mosaic_0001>

<sc_bundles>
// kernel: kernel.3.cloned.1.call-start
scs
__scs_entry_jumppad:
0x0: {  	(pc) =	sbr.rel $0x88, $3  }
0x1: {  	(tag) =	ssettag $0x0;
	lr =	simm.s32 $0x1  }
0x2: {  	[smem:$0x3F9F] =	sst lr;
	_ =	strace $0xD0000000  }
0x3: {  	_ = 	snop  }
0x4: {  	_ = 	snop  }
0x5: {  	_ = 	snop  }
0x6: {  	_ = 	snop  }
0x7: {  	_ = 	snop  }
__scs_overlays_trampoline_lowered:
0x8: {  	[smem:$0x3FAE] =	sst s0  }
0x9: {  	[smem:$0x3FAF] =	sst s1  }
0xa: {  	[smem:$0x3FB0] =	sst s2  }
0xb: {  	[smem:$0x3FB1] =	sst s3  }
0xc: {  	[smem:$0x3FB2] =	sst s4  }
0xd: {  	[smem:$0x3FB3] =	sst s5  }
0xe: {  	[smem:$0x3FB4] =	sst s6  }
0xf: {  	[smem:$0x3FB5] =	sst s7  }
0x10: {  	[smem:$0x3FB6] =	sst s8  }
0x11: {  	[smem:$0x3FB7] =	sst s9;
	s0 =	simm.s32 @!p0 $0x0  }
0x12: {  	s1 =	sld [smem:$0x3F9D];
	s0 =	simm.s32 @p0 $0x1  }
0x13: {  	[smem:$0x3FB8] =	sst s0;
	s0 =	simm.s32 @!p1 $0x0  }
0x14: {  	s2 =	sld [smem:$0x3F9C];
	s0 =	simm.s32 @p1 $0x1  }
0x15: {  	[smem:$0x3FB9] =	sst s0;
	s0 =	simm.s32 @!p2 $0x0  }
0x16: {  	s3 =	sld [smem:$0x3FDB];
	s0 =	simm.s32 @p2 $0x1  }
0x17: {  	s4 =	simm.s32 $0x1BF5;
	[smem:$0x3FBB] =	sst s0  }
0x18: {  	s0 =	sld [smem:$0x3F9E];
	_ =	swait.ge [sflag:s4], $0x0  }
0x19: {  	s7 =	sld [smem:$0x3F9F]  }
0x1a: {  	s8 =	sadd.s32 $0xFFFFE003, lr  }
0x1b: {  	s9 =	sadd.s32 $0xFFFFFEF7, lr;
	s5 =	simm.s32 $0xFFFFFFFF;
	p2 =	slt.u32 s8, $0xFFFFF086  }
0x1c: {  	p1 =	slt.u32 s9, $0xF7A;
	s5 =	simm.s32 @!p2 $0x0  }
0x1d: {  	s5 =	simm.s32 @p1 $0x1;
	p0 =	seq.s32 s7, s2  }
0x1e: {  	s7 =	smul.u32 @!p0 $0xF7A, s2;
	p2 =	seq.s32 @!p0 s5, $0x0  }
0x1f: {  	s9 =	smul.u32 $0xF7A, s1;
	s8 =	simm.s32 @!p0 $0x1BF5;
	p2 =	por !p2, p0  }
0x20: {  	[sflag:s8] =	ssyncset.s32 @!p0 $0xFFFFF086;
	s6 =	sadd.s32 @!p0 s3, s7;
	s7 =	simm.s32 @!p0 $0x108  }
0x21: {  	s3 =	sadd.s32 s3, s9;
	s6 =	sadd.s32 @!p0 $0x88, s6;
	s7 =	simm.s32 @p2 $0x1082  }
0x22: {  	[simem:s7], [sflag:s8] =	dma.local @!p0 [hbm:s6], $0xF7A  }
0x23: {  	s9 =	sor.u32 $0xD0000000, s2;
	s6 =	simm.s32 $0x108;
	_ =	swait.ge @!p0 [sflag:s8], $0x0  }
0x24: {  	s3 =	sadd.s32 $0x88, s3;
	s6 =	simm.s32 @!p1 $0x1082;
	[sflag:s4] =	ssyncset.s32 $0xFFFFF086  }
0x25: {  	[simem:s6], [sflag:s4] =	dma.local [hbm:s3], $0xF7A  }
0x26: {  	[smem:$0x3F9F] =	sst s1;
	(tag) =	ssettag s2;
	_ =	strace s9  }
0x27: {  	s1 =	sld [smem:$0x3FAF]  }
0x28: {  	s2 =	sld [smem:$0x3FB0]  }
0x29: {  	s4 =	sld [smem:$0x3FB2]  }
0x2a: {  	p0 =	seq.s32 s5, $0x0;
	s5 =	sld [smem:$0x3FB3]  }
0x2b: {  	s6 =	sld [smem:$0x3FB4]  }
0x2c: {  	s7 =	sld [smem:$0x3FB5]  }
0x2d: {  	s3 =	simm.s32 $0x108;
	s8 =	sld [smem:$0x3FB6]  }
0x2e: {  	s3 =	simm.s32 @!p0 $0x1082;
	s9 =	sld [smem:$0x3FB7]  }
0x2f: {  	lr =	sadd.s32 s0, s3;
	s0 =	sld [smem:$0x3FAE]  }
0x30: {  	s3 =	sld [smem:$0x3FB1]  }
0x31: {  	[smem:$0x3FBA] =	sst s10  }
0x32: {  	s10 =	sld [smem:$0x3FB8];
	_ =	sdelay $0x3  }
0x33: {  	p0 =	seq.s32 s10, $0x1;
	s10 =	sld [smem:$0x3FBA];
	_ =	sdelay $0x3  }
0x34: {  	[smem:$0x3FBA] =	sst s10  }
0x35: {  	s10 =	sld [smem:$0x3FB9];
	_ =	sdelay $0x3  }
0x36: {  	p1 =	seq.s32 s10, $0x1;
	s10 =	sld [smem:$0x3FBA];
	_ =	sdelay $0x3  }
0x37: {  	[smem:$0x3FBA] =	sst s10  }
0x38: {  	s10 =	sld [smem:$0x3FBB]  }
0x39: {  	_ = 	snop;
	(pc) =	sbr.ind lr, $3  }
0x3a: {  	_ = 	snop  }
0x3b: {  	_ = 	snop  }
0x3c: {  	p2 =	seq.s32 s10, $0x1;
	s10 =	sld [smem:$0x3FBA]  }
0x3d: {  	_ =	shalt  }
0x3e: {  	_ =	shalt  }
0x3f: {  	_ =	shalt  }
0x40: {  	_ =	shalt  }
0x41: {  	_ =	shalt  }
0x42: {  	_ =	shalt  }
0x43: {  	_ =	shalt  }
0x44: {  	_ =	shalt  }
0x45: {  	_ =	shalt  }
0x46: {  	_ =	shalt  }
0x47: {  	_ =	shalt  }
0x48: {  	_ =	shalt  }
0x49: {  	_ =	shalt  }
0x4a: {  	_ =	shalt  }
0x4b: {  	_ =	shalt  }
0x4c: {  	_ =	shalt  }
0x4d: {  	_ =	shalt  }
0x4e: {  	_ =	shalt  }
0x4f: {  	_ =	shalt  }
0x50: {  	_ =	shalt  }
0x51: {  	_ =	shalt  }
0x52: {  	_ =	shalt  }
0x53: {  	_ =	shalt  }
0x54: {  	_ =	shalt  }
0x55: {  	_ =	shalt  }
0x56: {  	_ =	shalt  }
0x57: {  	_ =	shalt  }
0x58: {  	_ =	shalt  }
0x59: {  	_ =	shalt  }
0x5a: {  	_ =	shalt  }
0x5b: {  	_ =	shalt  }
0x5c: {  	_ =	shalt  }
0x5d: {  	_ =	shalt  }
0x5e: {  	_ =	shalt  }
0x5f: {  	_ =	shalt  }
0x60: {  	_ =	shalt  }
0x61: {  	_ =	shalt  }
0x62: {  	_ =	shalt  }
0x63: {  	_ =	shalt  }
0x64: {  	_ =	shalt  }
0x65: {  	_ =	shalt  }
0x66: {  	_ =	shalt  }
0x67: {  	_ =	shalt  }
0x68: {  	_ =	shalt  }
0x69: {  	_ =	shalt  }
0x6a: {  	_ =	shalt  }
0x6b: {  	_ =	shalt  }
0x6c: {  	_ =	shalt  }
0x6d: {  	_ =	shalt  }
0x6e: {  	_ =	shalt  }
0x6f: {  	_ =	shalt  }
0x70: {  	_ =	shalt  }
0x71: {  	_ =	shalt  }
0x72: {  	_ =	shalt  }
0x73: {  	_ =	shalt  }
0x74: {  	_ =	shalt  }
0x75: {  	_ =	shalt  }
0x76: {  	_ =	shalt  }
0x77: {  	_ =	shalt  }
0x78: {  	_ =	shalt  }
0x79: {  	_ =	shalt  }
0x7a: {  	_ =	shalt  }
0x7b: {  	_ =	shalt  }
0x7c: {  	_ =	shalt  }
0x7d: {  	_ =	shalt  }
0x7e: {  	_ =	shalt  }
0x7f: {  	_ =	shalt  }
0x80: {  	_ =	shalt  }
0x81: {  	_ =	shalt  }
0x82: {  	_ =	shalt  }
0x83: {  	_ =	shalt  }
0x84: {  	_ =	shalt  }
0x85: {  	_ =	shalt  }
0x86: {  	_ =	shalt  }
0x87: {  	_ =	shalt  }
.Lfunc_end0:
.L_simem_size_0:
called_computation_lowered:
.L_overlay_start_0:
0x88: {  	s2 =	sld [smem:$0x3FD9]  }
0x89: {  	s3 =	sld [smem:$0x3FFE];
	_ =	sdelay $0x1  }
0x8a: {  	s1 =	srdreg.scid  }
0x8b: {  	s0 =	sand.u32 $0x1, s1  }
0x8c: {  	s18 =	sshll.u32 s0, $0xA;
	s2 =	sadd.s32 s3, s2  }
0x8d: {  	s2 =	sadd.s32 s2, s18  }
0x8e: {  	[smem:$0x3FC6] =	sst s2  }
0x8f: {  	_ = 	snop  }
0x90: {  	s2 =	sld [smem:$0x3FC9]  }
0x91: {  	s19 =	sld [smem:$0x3FC8]  }
0x92: {  	s4 =	sld [smem:$0x3FD0];
	(tm) =	ssettm $0x1  }
0x93: {  	s5 =	sld [smem:$0x3FFB];
	_ =	sdelay $0x3  }
0x94: {  	_ =	strace s5  }
0x95: {  	s5 =	sld [smem:$0x3FFC];
	_ =	sdelay $0x3  }
0x96: {  	_ =	strace s5  }
0x97: {  	s5 =	sld [smem:$0x3FFD];
	_ =	sdelay $0x3  }
0x98: {  	_ =	strace s5  }
0x99: {  	_ =	strace $0x8FFFFFFF  }
0x9a: {  	s20 =	sld [smem:$0x3FDB];
	_ =	sdelay $0x1  }
0x9b: {  	s6 =	simm.s32 $_scs_section_size  }
0x9c: {  	s7 =	simm.s32 $_size__tile_overlayer_lowered;
	s8 =	simm.s32 $_tile_overlayer_lowered  }
0x9d: {  	s23 =	simm.s32 $0x1BFF;
	s22 =	sshll.u32 s8, $0x1;
	s5 =	sadd.s32 s6, s20  }
0x9e: {  	s9 =	simm.s32 $0x0;
	s21 =	sshll.u32 s7, $0x1;
	s7 =	sadd.s32 s22, s5  }
0x9f: {  	[timem:s9], [sflag:s23] =	dma.local [hbm:s7], s21  }
0xa0: {  	_ =	swait.ge [sflag:s23], s21  }
0xa1: {  	s6 =	ssub.s32 $0x0, s21;
	[sflag:s23] =	ssyncset.done $0x0  }
0xa2: {  	[sflag:s23] =	ssyncadd.s32 s6;
	_ =	sdelay $0x1  }
0xa3: {  	s24 =	simm.s32 $0x1B8B  }
0xa4: {  	_ =	swait.ge [sflag:s24], $0x1  }
0xa5: {  	[sflag:s24] =	ssyncset.done $0x0  }
0xa6: {  	s25 =	simm.s32 $0x1B8E;
	[sflag:s24] =	ssyncadd.s32 $0xFFFFFFFF  }
0xa7: {  	s26 =	simm.s32 $execute0_lowered;
	[smem:$0x3FD2] =	sst s25  }
0xa8: {  	s6 =	sshll.u32 s26, $0x1;
	_ =	strace $0x80000046;
	[dreg:$0x1] =	wrdreg $0xFFFFFFFF  }
0xa9: {  	s28 =	simm.s32 $_size_execute0_lowered;
	s5 =	sadd.s32 s5, s6;
	[dreg:$0x0] =	wrdreg $0x0  }
0xaa: {  	s6 =	sshll.u32 s28, $0x1;
	[dreg:$0x2] =	wrdreg s5  }
0xab: {  	[dreg:$0x3] =	wrdreg s6  }
0xac: {  	[dreg:$0x4] =	wrdreg $0xC0  }
0xad: {  	_ =	task [dreg:s9], $0x5FFFF  }
0xae: {  	[dreg:$0x1] =	wrdreg $0xFFFFFFFF  }
0xaf: {  	[dreg:$0x0] =	wrdreg $0x60  }
0xb0: {  	[dreg:$0x2] =	wrdreg s19  }
0xb1: {  	[dreg:$0x3] =	wrdreg s2  }
0xb2: {  	[dreg:$0x4] =	wrdreg s4  }
0xb3: {  	[dreg:$0x5] =	wrdreg $0x9  }
0xb4: {  	_ =	task.clear_ibuf [dreg:s9], $0x6FFFF;
	_ =	strace $0x90000046  }
0xb5: {  	s29 =	simm.s32 $0x9;
	_ =	strace $0x80000048  }
0xb6: {  	_ =	swait.ge [sflag:s29], $0x1  }
0xb7: {  	[sflag:s29] =	ssyncadd.s32 $0xFFFFFFFF  }
0xb8: {  	_ =	strace $0x90000048  }
0xb9: {  	_ =	sfence  }
0xba: {  	s30 =	sld [smem:$0x0];
	_ =	sdelay $0x2  }
0xbb: {  	s31 =	sshll.u32 s1, $0xD;
	s1 =	sshrl.u32 s1, $0x2  }
0xbc: {  	s3 =	sand.u32 $0x4000, s31;
	s1 =	sadd.s32 s1, s30  }
0xbd: {  	s0 =	sor.u32 s3, s0;
	s1 =	sshll.u32 s1, $0x11  }
0xbe: {  	s0 =	sor.u32 s1, s0  }
0xbf: {  	s0 =	sadd.s32 $0x8F2B, s0  }
0xc0: {  	[sflag:s0] =	ssyncadd.remote.s32 $0x1  }
0xc1: {  	_ =	sfence.sel $0xFFFF  }
0xc2: {  	[dreg:$0x0] =	wrdreg $0xFFFFFFFF;
	(pc) =	sbr.abs _section_cstart, $3  }
0xc3: {  	[dreg:$0x1] =	wrdreg $0xFFFFFFFF  }
0xc4: {  	_ =	task.clear_ibuf [dreg:s9], $0x2FFFF;
	_ =	strace $0x9FFFFFFF  }
0xc5: {  	(tm) =	ssettm $0x7FFFFFFF  }
tec
execute0_lowered:
.L_overlay_start_1:
0x0: {  	(tag) =	ssettag $0x1  }
0x1: {  	s1 =	rddreg [dreg:$0x0]  }
0x2: {  	s4 =	rddreg [dreg:$0x1]  }
0x3: {  	s5 =	rddreg [dreg:$0x2];
	s2 =	srdreg.scid  }
0x4: {  	s0 =	rddreg [dreg:$0x3];
	s3 =	simm.s32 $0x0;
	s10 =	simm.s32 $0x600  }
0x5: {  	s11 =	simm.s32 $0x3;
	s12 =	simm.s32 $0x0;
	s6 =	sand.u32 $0x1, s2  }
0x6: {  	[smem:$0x7FF] =	sst s3;
	s2 =	stileid.u32;
	s7 =	ssub.s32 $0x2, s6  }
0x7: {  	s9 =	sshll.u32 s2, $0x7;
	s6 =	sshll.u32 s6, $0x6;
	_ =	strace $0x80000047  }
0x8: {  	s8 =	sshrl.u32 s7, $0x1;
	s6 =	sor.u32 s6, s9;
	s9 =	simm.s32 $0x1  }
0x9: {  	s7 =	ssub.s32 s7, s8;
	s4 =	sadd.s32 s4, s6;
	s5 =	sadd.s32 s5, s6  }
0xa: {  	s8 =	simm.s32 $0x2;
	s6 =	smax.u32 s7, $0x1;
	s7 =	simm.s32 $0x400  }
.LBB2_1:
0xb: {  	[tilespmem:s3], [sflag:$0x1] =	stream.linear.gather [hbm4b:s1+s3], $0x3E9, $0x38;
	[tilespmem:$0x800] =	vst v63  }
0xc: {  	_ = 	snop  }
0xd: {  	[tilespmem:s7], [sflag:$0x2] =	stream.linear.gather [hbm4b:s4+s3], $0x200, $0x38;
	[tilespmem:$0x800] =	vst v63  }
0xe: {  	_ =	swait.ge [sflag:s8], $0x200  }
0xf: {  	[sflag:s8] =	ssyncset.done $0x0  }
0x10: {  	[sflag:s8] =	ssyncadd.s32 $0xFFFFFE00  }
0x11: {  	_ =	swait.ge [sflag:s9], $0x3E9  }
0x12: {  	[sflag:s9] =	ssyncset.done $0x0  }
0x13: {  	s13 =	simm.s32 $0x420;
	[sflag:s9] =	ssyncadd.s32 $0xFFFFFC17  }
0x14: {  	v0 =	vld [tilespmem:s13+$0x10]  }
0x15: {  	v1 =	vld [tilespmem:s13+$0xFFFFFFE0];
	_ =	sdelay $0x3  }
0x16: {  	v3 =	vld [tilespmem:s13+$0x0];
	_ =	sdelay $0x1  }
0x17: {  	v2 =	vld [tilespmem:s13+$0xFFFFFFF0]  }
0x18: {  	v0 =	vld.idx.msk [tilespmem:v0+s3+$0x0], $0xffff  }
0x19: {  	s30 =	simm.s32 $0x460;
	v1 =	vld.idx.msk [tilespmem:v1+s3+$0x0], $0xffff  }
0x1a: {  	v6 =	vld [tilespmem:s30+$0x10];
	_ =	sdelay $0x2  }
0x1b: {  	v3 =	vld.idx.msk [tilespmem:v3+s3+$0x0], $0xffff  }
0x1c: {  	v0 =	vmax.f32 v0, $9.999999930e-09;
	v1 =	vmax.f32 v1, $9.999999930e-09  }
0x1d: {  	v0 =	vmin.f32 v0, $1.000000000e+00;
	v1 =	vmin.f32 v1, $1.000000000e+00  }
0x1e: {  	v0 =	vsub.f32 $1.000000000e+00, v0;
	v1 =	vsub.f32 $1.000000000e+00, v1  }
0x1f: {  	v2 =	vld.idx.msk [tilespmem:v2+s3+$0x0], $0xffff  }
0x20: {  	v6 =	vld.idx.msk [tilespmem:v6+s3+$0x0], $0xffff;
	v3 =	vmax.f32 v3, $9.999999930e-09;
	v4 =	vmax.f32 v0, $1.000000000e-30;
	v16 =	vmax.f32 v1, $1.000000000e-30  }
0x21: {  	v1 =	vmin.f32 v3, $1.000000000e+00;
	v3 =	vld [tilespmem:s30+$0xFFFFFFF0];
	v0 =	vshra.s32 v4, $0x1;
	v5 =	vmul.f32 $5.000000000e-01, v4  }
0x22: {  	v0 =	vsub.s32 $0x5F3759DF, v0  }
0x23: {  	v7 =	vmul.f32 v0, v5  }
0x24: {  	v8 =	vld [tilespmem:s30+$0xFFFFFFE0];
	v2 =	vmax.f32 v2, $9.999999930e-09  }
0x25: {  	v6 =	vmax.f32 v6, $9.999999930e-09;
	v2 =	vmin.f32 v2, $1.000000000e+00;
	v7 =	vmul.f32 v0, v7  }
0x26: {  	v6 =	vmin.f32 v6, $1.000000000e+00;
	v2 =	vsub.f32 $1.000000000e+00, v2  }
0x27: {  	v9 =	vld [tilespmem:s30+$0x0];
	v6 =	vsub.f32 $1.000000000e+00, v6;
	v7 =	vsub.f32 $1.500000000e+00, v7  }
0x28: {  	v10 =	vsub.f32 $1.000000000e+00, v1;
	v1 =	vmax.f32 v2, $1.000000000e-30;
	v11 =	vmul.f32 $5.000000000e-01, v16  }
0x29: {  	v6 =	vmax.f32 v6, $1.000000000e-30;
	v12 =	vmul.f32 $5.000000000e-01, v1;
	v3 =	vld.idx.msk [tilespmem:v3+s3+$0x0], $0xffff;
	v0 =	vmul.f32 v0, v7  }
0x2a: {  	v2 =	vmax.f32 v10, $1.000000000e-30;
	v10 =	vshra.s32 v16, $0x1;
	v7 =	vshra.s32 v1, $0x1  }
0x2b: {  	v13 =	vshra.s32 v2, $0x1;
	v7 =	vsub.s32 $0x5F3759DF, v7;
	v5 =	vmul.f32 v0, v5  }
0x2c: {  	v8 =	vld.idx.msk [tilespmem:v8+s3+$0x0], $0xffff;
	v10 =	vsub.s32 $0x5F3759DF, v10;
	v17 =	vmul.f32 $5.000000000e-01, v2;
	v14 =	vmul.f32 v7, v12  }
0x2d: {  	v13 =	vsub.s32 $0x5F3759DF, v13;
	v15 =	vmul.f32 v10, v11;
	v5 =	vmul.f32 v5, v0  }
0x2e: {  	v18 =	vmul.f32 v13, v17;
	v14 =	vmul.f32 v7, v14;
	v3 =	vmax.f32 v3, $9.999999930e-09  }
0x2f: {  	v9 =	vld.idx.msk [tilespmem:v9+s3+$0x0], $0xffff;
	v15 =	vmul.f32 v10, v15;
	v3 =	vmin.f32 v3, $1.000000000e+00;
	v5 =	vsub.f32 $1.500000000e+00, v5  }
0x30: {  	v18 =	vmul.f32 v13, v18;
	v14 =	vsub.f32 $1.500000000e+00, v14;
	v3 =	vsub.f32 $1.000000000e+00, v3  }
0x31: {  	v5 =	vmul.f32 v5, v0;
	v0 =	vmax.f32 v8, $9.999999930e-09;
	v8 =	vsub.f32 $1.500000000e+00, v15  }
0x32: {  	v15 =	vmul.f32 v7, v14;
	v7 =	vshra.s32 v6, $0x1;
	v14 =	vmul.f32 $5.000000000e-01, v6  }
0x33: {  	v3 =	vmax.f32 v3, $1.000000000e-30;
	v10 =	vmul.f32 v10, v8;
	v8 =	vsub.s32 $0x5F3759DF, v7  }
0x34: {  	v0 =	vmin.f32 v0, $1.000000000e+00;
	v7 =	vmax.f32 v9, $9.999999930e-09;
	v9 =	vmul.f32 v8, v14  }
0x35: {  	s31 =	simm.s32 $0x4A0;
	v26 =	vmul.f32 $5.000000000e-01, v3;
	v0 =	vsub.f32 $1.000000000e+00, v0;
	v12 =	vmul.f32 v15, v12  }
0x36: {  	v20 =	vld [tilespmem:s31+$0xFFFFFFE0];
	v24 =	vshra.s32 v3, $0x1;
	v5 =	vmul.f32 v5, v4;
	v9 =	vmul.f32 v8, v9  }
0x37: {  	v21 =	vld [tilespmem:s31+$0x10];
	v24 =	vsub.s32 $0x5F3759DF, v24;
	v19 =	vmin.f32 v7, $1.000000000e+00;
	v0 =	vmax.f32 v0, $1.000000000e-30  }
0x38: {  	v19 =	vsub.f32 $1.000000000e+00, v19;
	v11 =	vmul.f32 v10, v11;
	v9 =	vsub.f32 $1.500000000e+00, v9  }
0x39: {  	v23 =	vld [tilespmem:s31+$0x0];
	v28 =	vmax.f32 v5, $9.999999930e-09;
	v5 =	vmul.f32 v24, v26;
	v7 =	vmul.f32 $5.000000000e-01, v0  }
0x3a: {  	v22 =	vshra.s32 v0, $0x1;
	v4 =	vmax.f32 v19, $1.000000000e-30;
	v19 =	vmul.f32 v8, v9  }
0x3b: {  	v22 =	vsub.s32 $0x5F3759DF, v22;
	v11 =	vmul.f32 v11, v10;
	v5 =	vmul.f32 v24, v5  }
0x3c: {  	v27 =	vmul.f32 v22, v7;
	v14 =	vmul.f32 v19, v14  }
0x3d: {  	v25 =	vld [tilespmem:s31+$0xFFFFFFF0];
	v12 =	vmul.f32 v12, v15;
	v11 =	vsub.f32 $1.500000000e+00, v11;
	v5 =	vsub.f32 $1.500000000e+00, v5  }
0x3e: {  	v20 =	vld.idx.msk [tilespmem:v20+s3+$0x0], $0xffff;
	v8 =	vshra.s32 v4, $0x1;
	v27 =	vmul.f32 v22, v27;
	v29 =	vmul.f32 v14, v19  }
0x3f: {  	v9 =	vsub.s32 $0x5F3759DF, v8;
	v63 =	vmul.f32 v11, v10;
	v14 =	vsub.f32 $1.500000000e+00, v18;
	v18 =	vld.idx.msk [tilespmem:v21+s3+$0x0], $0xffff  }
0x40: {  	v8 =	vmul.f32 $5.000000000e-01, v4;
	v10 =	vmul.f32 v24, v5;
	v21 =	vsub.f32 $1.500000000e+00, v29  }
0x41: {  	v23 =	vld.idx.msk [tilespmem:v23+s3+$0x0], $0xffff;
	v16 =	vmul.f32 v63, v16;
	v14 =	vmul.f32 v13, v14  }
0x42: {  	v13 =	vmul.f32 v9, v8;
	v19 =	vmul.f32 v21, v19  }
0x43: {  	v21 =	vsub.f32 $1.500000000e+00, v12;
	v11 =	vmul.f32 v14, v17;
	v12 =	vmax.f32 v20, $9.999999930e-09  }
0x44: {  	v20 =	vsub.f32 $1.500000000e+00, v27;
	v5 =	vmin.f32 v12, $1.000000000e+00;
	v12 =	vmax.f32 v18, $9.999999930e-09  }
0x45: {  	v17 =	vld.idx.msk [tilespmem:v25+s3+$0x0], $0xffff;
	v18 =	vmul.f32 v11, v14;
	v5 =	vsub.f32 $1.000000000e+00, v5;
	v12 =	vmin.f32 v12, $1.000000000e+00  }
0x46: {  	v11 =	vmul.f32 v22, v20;
	v20 =	vmax.f32 v23, $9.999999930e-09;
	v22 =	vsub.f32 $1.000000000e+00, v12  }
0x47: {  	v12 =	vmul.f32 v9, v13;
	v23 =	vmin.f32 v20, $1.000000000e+00;
	v20 =	vmul.f32 v21, v15  }
0x48: {  	v5 =	vmax.f32 v5, $1.000000000e-30;
	v23 =	vsub.f32 $1.000000000e+00, v23;
	v15 =	vmax.f32 v22, $1.000000000e-30  }
0x49: {  	v22 =	vsub.f32 $1.500000000e+00, v18;
	v21 =	vshra.s32 v15, $0x1;
	v18 =	vmul.f32 $5.000000000e-01, v15  }
0x4a: {  	s15 =	simm.s32 $0x620;
	s16 =	simm.s32 $0x80;
	v17 =	vmax.f32 v17, $9.999999930e-09;
	v13 =	vmul.f32 $5.000000000e-01, v5;
	v21 =	vsub.s32 $0x5F3759DF, v21  }
0x4b: {  	s17 =	simm.s32 $0x4E0;
	s14 =	simm.s32 $0x660;
	s13 =	simm.s32 $0x660;
	[tilespmem:s15+$0x10] =	vst v28;
	v25 =	vmin.f32 v17, $1.000000000e+00;
	v17 =	vmul.f32 v10, v26;
	v24 =	vmul.f32 v21, v18  }
.LBB2_2:
0x4c: {  	v26 =	vld [tilespmem:s17+$0xFFFFFFE0];
	s16 =	sadd.s32 $0x40, s16;
	v27 =	vshra.s32 v5, $0x1;
	v25 =	vsub.f32 $1.000000000e+00, v25;
	v19 =	vmul.f32 v19, v6;
	s13 =	sadd.s32 $0x40, s13;
	v6 =	vmovc v15  }
0x4d: {  	v14 =	vmul.f32 v22, v14;
	v15 =	vld [tilespmem:s17+$0x10];
	p0 =	slt.u32 s16, $0x1C0;
	v27 =	vsub.s32 $0x5F3759DF, v27;
	v24 =	vmul.f32 v21, v24  }
0x4e: {  	v23 =	vmax.f32 v23, $1.000000000e-30;
	v20 =	vmul.f32 v20, v1;
	v1 =	vmovc v3;
	v22 =	vld [tilespmem:s17+$0x0];
	v3 =	vmax.f32 v25, $1.000000000e-30  }
0x4f: {  	v14 =	vmul.f32 v14, v2;
	v2 =	vmovc v4;
	v4 =	vmovc v23;
	v25 =	vld [tilespmem:s17+$0xFFFFFFF0];
	v28 =	vshra.s32 v3, $0x1;
	v24 =	vsub.f32 $1.500000000e+00, v24  }
0x50: {  	v20 =	vmax.f32 v20, $9.999999930e-09;
	v23 =	vsub.s32 $0x5F3759DF, v28;
	v28 =	vshra.s32 v4, $0x1  }
0x51: {  	v14 =	vmax.f32 v14, $9.999999930e-09;
	v28 =	vsub.s32 $0x5F3759DF, v28;
	v21 =	vmul.f32 v21, v24;
	[tilespmem:s15+$0xFFFFFFF0] =	vst v20  }
0x52: {  	v16 =	vmax.f32 v16, $9.999999930e-09;
	v29 =	vmul.f32 $5.000000000e-01, v3;
	v20 =	vmul.f32 v11, v7;
	v7 =	vmovc v13;
	[tilespmem:s15+$0x0] =	vst v14  }
0x53: {  	v13 =	vmul.f32 v27, v7;
	v14 =	vmul.f32 v21, v18;
	v18 =	vmax.f32 v19, $9.999999930e-09;
	[tilespmem:s15+$0xFFFFFFE0] =	vst v16;
	s15 =	smov.u32 s14;
	s14 =	smov.u32 s13  }
0x54: {  	v19 =	vmul.f32 v23, v29;
	v20 =	vmul.f32 v20, v11;
	v16 =	vld.idx.msk [tilespmem:v26+s3+$0x0], $0xffff;
	[tilespmem:s15+$0x10] =	vst v18  }
0x55: {  	v12 =	vsub.f32 $1.500000000e+00, v12;
	v18 =	vmul.f32 $5.000000000e-01, v4;
	v15 =	vld.idx.msk [tilespmem:v15+s3+$0x0], $0xffff;
	v14 =	vmul.f32 v14, v21  }
0x56: {  	v17 =	vmul.f32 v17, v10;
	v19 =	vmul.f32 v23, v19;
	v20 =	vsub.f32 $1.500000000e+00, v20;
	v22 =	vld.idx.msk [tilespmem:v22+s3+$0x0], $0xffff  }
0x57: {  	v24 =	vmul.f32 v28, v18;
	v26 =	vsub.f32 $1.500000000e+00, v14;
	v14 =	vmul.f32 v9, v12;
	v9 =	vmovc v28  }
0x58: {  	v12 =	vmul.f32 v27, v13;
	v13 =	vsub.f32 $1.500000000e+00, v19;
	v28 =	vmul.f32 v20, v11  }
0x59: {  	v17 =	vsub.f32 $1.500000000e+00, v17;
	v25 =	vld.idx.msk [tilespmem:v25+s3+$0x0], $0xffff;
	v19 =	vmul.f32 v26, v21;
	v11 =	vmul.f32 v14, v8;
	v8 =	vmovc v18  }
0x5a: {  	v16 =	vmax.f32 v16, $9.999999930e-09;
	v12 =	vsub.f32 $1.500000000e+00, v12;
	v13 =	vmul.f32 v23, v13  }
0x5b: {  	v16 =	vmin.f32 v16, $1.000000000e+00;
	v15 =	vmax.f32 v15, $9.999999930e-09;
	v18 =	vmul.f32 v11, v14  }
0x5c: {  	v16 =	vsub.f32 $1.000000000e+00, v16;
	v15 =	vmin.f32 v15, $1.000000000e+00;
	v11 =	vmul.f32 v27, v12  }
0x5d: {  	v20 =	vmax.f32 v22, $9.999999930e-09;
	v12 =	vmul.f32 v9, v24;
	v15 =	vsub.f32 $1.000000000e+00, v15  }
.Ltmp0:
0x5e: {  	v24 =	vmax.f32 v16, $1.000000000e-30;
	v16 =	vmin.f32 v20, $1.000000000e+00;
	v20 =	vmul.f32 v17, v10;
	v10 =	vmovc v13;
	(pc) =	sbr.rel @p0 .LBB2_2-.Ltmp0, $4  }
0x5f: {  	v22 =	vsub.f32 $1.500000000e+00, v18;
	v17 =	vmax.f32 v25, $9.999999930e-09;
	v15 =	vmax.f32 v15, $1.000000000e-30  }
0x60: {  	v13 =	vmul.f32 $5.000000000e-01, v24;
	v21 =	vshra.s32 v15, $0x1;
	v18 =	vmul.f32 $5.000000000e-01, v15  }
0x61: {  	v23 =	vsub.f32 $1.000000000e+00, v16;
	v16 =	vmul.f32 v28, v0;
	v0 =	vmovc v5;
	v5 =	vmovc v24;
	v21 =	vsub.s32 $0x5F3759DF, v21  }
0x62: {  	s17 =	sadd.s32 $0x40, s17;
	v25 =	vmin.f32 v17, $1.000000000e+00;
	v17 =	vmul.f32 v10, v29;
	v24 =	vmul.f32 v21, v18  }
0x63: {  	v26 =	vshra.s32 v5, $0x1;
	v25 =	vsub.f32 $1.000000000e+00, v25;
	v6 =	vmul.f32 v19, v6  }
0x64: {  	v14 =	vmul.f32 v22, v14;
	v23 =	vmax.f32 v23, $1.000000000e-30;
	v1 =	vmul.f32 v20, v1  }
0x65: {  	v7 =	vmul.f32 v11, v7;
	v12 =	vsub.f32 $1.500000000e+00, v12;
	v24 =	vmul.f32 v21, v24  }
0x66: {  	v63 =	vsub.s32 $0x5F3759DF, v26;
	v34 =	vshra.s32 v23, $0x1;
	v37 =	vmul.f32 $5.000000000e-01, v23  }
0x67: {  	v17 =	vmul.f32 v17, v10;
	v30 =	vmax.f32 v25, $1.000000000e-30;
	v2 =	vmul.f32 v14, v2  }
0x68: {  	v24 =	vsub.f32 $1.500000000e+00, v24;
	v31 =	vshra.s32 v30, $0x1;
	v35 =	vmul.f32 $5.000000000e-01, v30  }
0x69: {  	v36 =	vmul.f32 v63, v13;
	v7 =	vmul.f32 v7, v11;
	v32 =	vsub.s32 $0x5F3759DF, v31  }
0x6a: {  	v33 =	vmul.f32 v21, v24;
	v21 =	vsub.s32 $0x5F3759DF, v34;
	v27 =	vmul.f32 v32, v35  }
0x6b: {  	v9 =	vmul.f32 v9, v12;
	v38 =	vmul.f32 v21, v37  }
0x6c: {  	v17 =	vsub.f32 $1.500000000e+00, v17;
	v18 =	vmul.f32 v33, v18;
	v27 =	vmul.f32 v32, v27  }
0x6d: {  	v7 =	vsub.f32 $1.500000000e+00, v7;
	v41 =	vmul.f32 v63, v36;
	v39 =	vmul.f32 v21, v38  }
0x6e: {  	v8 =	vmul.f32 v9, v8;
	v18 =	vmul.f32 v18, v33;
	v42 =	vsub.f32 $1.500000000e+00, v27  }
0x6f: {  	v44 =	vmul.f32 v17, v10;
	v7 =	vmul.f32 v7, v11;
	v11 =	vsub.f32 $1.500000000e+00, v39  }
0x70: {  	v40 =	vsub.f32 $1.500000000e+00, v18;
	v18 =	vsub.f32 $1.500000000e+00, v41;
	v14 =	vmul.f32 v32, v42  }
0x71: {  	v16 =	vmax.f32 v16, $9.999999930e-09;
	v8 =	vmul.f32 v8, v9;
	v11 =	vmul.f32 v21, v11  }
0x72: {  	v1 =	vmax.f32 v1, $9.999999930e-09;
	v18 =	vmul.f32 v63, v18;
	v43 =	vmul.f32 v14, v35  }
0x73: {  	v47 =	vmax.f32 v6, $9.999999930e-09;
	v50 =	vmul.f32 v44, v3;
	v45 =	vmul.f32 v11, v37  }
0x74: {  	v8 =	vsub.f32 $1.500000000e+00, v8;
	v46 =	vmul.f32 v18, v13;
	v19 =	vmul.f32 v43, v14  }
0x75: {  	[tilespmem:s15+$0xFFFFFFE0] =	vst v16;
	v2 =	vmax.f32 v2, $9.999999930e-09;
	v0 =	vmul.f32 v7, v0;
	v49 =	vmul.f32 v45, v11  }
0x76: {  	[tilespmem:s15+$0xFFFFFFF0] =	vst v1;
	v48 =	vmul.f32 v8, v9;
	v51 =	vmul.f32 v46, v18;
	v52 =	vsub.f32 $1.500000000e+00, v19  }
0x77: {  	[tilespmem:s14+$0x10] =	vst v47;
	v54 =	vmax.f32 v50, $9.999999930e-09;
	v12 =	vmul.f32 v40, v33;
	v53 =	vsub.f32 $1.500000000e+00, v49  }
0x78: {  	[tilespmem:s15+$0x0] =	vst v2;
	v4 =	vmul.f32 v48, v4;
	v55 =	vsub.f32 $1.500000000e+00, v51;
	v56 =	vmul.f32 v52, v14  }
0x79: {  	[tilespmem:s14+$0xFFFFFFF0] =	vst v54;
	v0 =	vmax.f32 v0, $9.999999930e-09;
	v57 =	vmul.f32 v12, v15;
	v59 =	vmul.f32 v53, v11  }
0x7a: {  	[tilespmem:s14+$0xFFFFFFE0] =	vst v0;
	v58 =	vmax.f32 v4, $9.999999930e-09;
	v60 =	vmul.f32 v55, v18;
	v61 =	vmul.f32 v56, v30  }
0x7b: {  	s13 =	sadd.s32 $0x40, s13;
	[tilespmem:s14+$0x0] =	vst v58;
	v62 =	vmax.f32 v57, $9.999999930e-09;
	v63 =	vmul.f32 v59, v23  }
0x7c: {  	[tilespmem:s13+$0x10] =	vst v62;
	v1 =	vmul.f32 v60, v5;
	v2 =	vmax.f32 v61, $9.999999930e-09  }
0x7d: {  	s12 =	sadd.s32 $0x1, s12;
	[tilespmem:s13+$0xFFFFFFF0] =	vst v2;
	v0 =	vmax.f32 v63, $9.999999930e-09  }
0x7e: {  	p0 =	sne.s32 s12, s6;
	v1 =	vmax.f32 v1, $9.999999930e-09;
	[tilespmem:s13+$0x0] =	vst v0  }
.Ltmp1:
0x7f: {  	[tilespmem:s13+$0xFFFFFFE0] =	vst v1;
	(pc) =	sbr.rel @p0 .LBB2_1-.Ltmp1, $4  }
0x80: {  	[hbm4b:s5+s3] =	stream.linear.scatter [tilespmem:s10], [sflag:$0x3], $0x200, $0x38;
	[tilespmem:$0x800] =	vst v63  }
0x81: {  	_ =	swait.ge [sflag:s11], $0x200  }
0x82: {  	[sflag:s11] =	ssyncset.done $0x0  }
0x83: {  	[sflag:s11] =	ssyncadd.s32 $0xFFFFFE00  }
0x84: {  	_ =	sfence.sel $0x180000  }
0x85: {  	[bflag:$0x0] =	sbarrier.arrive $0xFFFF  }
0x86: {  	p0 =	sne.s32 s2, $0x0;
	_ =	strace $0x90000047  }
0x87: {  	s0 =	sadd.s32 @!p0 $0x100000, s0;
	[bflag:$0x2] =	sbarrier.arrive $0xFFFF  }
0x88: {  	[sflag:s0] =	ssyncadd.tile.s32 @!p0 $0x1;
	_ =	shalt  }
.Lfunc_end2:
_tile_overlayer_lowered:
.L_overlay_start_2:
0x89: {  	(tag) =	ssettag $0x2  }
0x8a: {  	s0 =	rddreg [dreg:$0x0];
	s2 =	stileid.u32  }
0x8b: {  	s1 =	rddreg [dreg:$0x1];
	p0 =	sne.s32 s2, $0x0  }
0x8c: {  	s3 =	rddreg [dreg:$0x2];
	[bflag:$0x3] =	sbarrier.arrive $0xFFFF;
	s2 =	simm.s32 @!p0 $0x1C03  }
0x8d: {  	[timem:s3], [sflag:s2] =	dma.local @!p0 [hbm:s0], s1  }
0x8e: {  	s0 =	simm.s32 @!p0 $0x3  }
0x8f: {  	_ =	swait.ge @!p0 [sflag:s0], s1  }
0x90: {  	s1 =	ssub.s32 @!p0 $0x0, s1;
	[sflag:s0] =	ssyncset.done @!p0 $0x0  }
0x91: {  	[sflag:s0] =	ssyncadd.s32 @!p0 s1  }
0x92: {  	[bflag:$0x3] =	sbarrier.arrive $0xFFFF  }
0x93: {  	_ =	shalt  }

</sc_bundles>
